<compile_context>
chip_gen: v7x
topology: tpu7x:2x2x1
jax: 0.10.2.dev20260603
libtpu: 0.0.44.dev20260713+nightly
codegen_flags: <defaults>
</compile_context>

<pallas_src>
import functools

import jax
import jax.numpy as jnp
from jax import lax
from jax.experimental import pallas as pl
from jax.experimental.pallas import tpu as pltpu
from jax.experimental.pallas import tpu_sc as plsc

B, C_U, H, W = 4, 256, 128, 128
R, D_GAT = 2048, 128
N = H * W
C_OUT = C_U + D_GAT

NC, NS, L = 2, 16, 16
NW = NC * NS
GPB = NW // B
CPT = D_GAT // GPB
HCH = 16
PCH = HCH * W
NCHUNK = H // HCH
GPW = W // L

_sc_mesh = plsc.VectorSubcoreMesh(core_axis_name="c", subcore_axis_name="s")


@functools.partial(
    pl.kernel,
    mesh=_sc_mesh,
    compiler_params=pltpu.CompilerParams(
        use_tc_tiling_on_sc=False, needs_layout_passes=False
    ),
    out_type=jax.ShapeDtypeStruct((B, C_OUT, H, W), jnp.float32),
    scratch_types=[
        pltpu.VMEM((R, CPT), jnp.float32),
        pltpu.VMEM((HCH, W), jnp.int32),
        pltpu.VMEM((CPT, HCH, W), jnp.float32),
        pltpu.SemaphoreType.DMA,
    ],
)
def _sc_gather(fg_hbm, idx_hbm, fu_hbm, out_hbm, tbl_v, idx_v, ob_v, cp_sem):
    wid = lax.axis_index("s") * NC + lax.axis_index("c")
    b = wid // GPB
    d0 = (wid % GPB) * CPT
    cu0 = (wid % GPB) * (C_U // GPB)
    cp = pltpu.make_async_copy(
        fu_hbm.at[b, pl.ds(cu0, C_U // GPB)],
        out_hbm.at[b, pl.ds(cu0, C_U // GPB)],
        cp_sem,
    )
    cp.start()
    pltpu.sync_copy(fg_hbm.at[:, pl.ds(d0, CPT)], tbl_v)

    def chunk_body(ci, carry):
        pltpu.sync_copy(idx_hbm.at[b, pl.ds(ci * HCH, HCH), :], idx_v)

        def grp(j, carry2):
            r = j // GPW
            c0 = (j % GPW) * L
            iv = idx_v[r, pl.ds(c0, L)]
            for d in range(CPT):
                dvec = jnp.full((L,), d, jnp.int32)
                ob_v[d, r, pl.ds(c0, L)] = plsc.load_gather(tbl_v, [iv, dvec])
            return carry2

        lax.fori_loop(0, HCH * GPW, grp, 0, unroll=False)
        pltpu.sync_copy(
            ob_v, out_hbm.at[b, pl.ds(C_U + d0, CPT), pl.ds(ci * HCH, HCH), :]
        )
        return carry

    lax.fori_loop(0, NCHUNK, chunk_body, 0, unroll=False)
    cp.wait()


def kernel(f_u, f_g, region_to_pixel_map):
    idx32 = region_to_pixel_map.astype(jnp.int32)
    return _sc_gather(f_g, idx32, f_u)

# --- scband reference (transcript-rebuilt; emitter-appended) ---
"""Pipeline reference for scband-feature-fusion-75161927680694 (READ-ONLY COPY).

The authoritative reference and input builder live on the scoring server;
editing this copy changes nothing except your own understanding.
"""

import jax, jax.numpy as jnp
import numpy as np

B, C_U, H, W = 4, 256, 128, 128
R, D_GAT = 2048, 128

def setup_inputs(seed: int = 0) -> dict:
    key = jax.random.key(seed)
    k1, k2, k3 = jax.random.split(key, 3)
    f_u = jax.random.normal(k1, (B, C_U, H, W), dtype=jnp.float32)
    f_g = jax.random.normal(k2, (R, D_GAT), dtype=jnp.float32)
    region_to_pixel_map = jax.random.randint(k3, (B, H, W), 0, R).astype(jnp.int64)
    return {"f_u": f_u, "f_g": f_g, "region_to_pixel_map": region_to_pixel_map}

def reference(f_u, f_g, region_to_pixel_map):
    # f_u_list = [f_u]; single scale already at target_spatial_size, so no interpolation.
    f_u_combined = f_u  # torch.cat over a single-element list
    Bn, Hn, Wn = region_to_pixel_map.shape
    flat_map = region_to_pixel_map.reshape(Bn, Hn * Wn)
    valid = (flat_map >= 0) & (flat_map < f_g.shape[0])
    safe_idx = jnp.where(valid, flat_map, 0)
    gathered = jnp.take(f_g, safe_idx, axis=0)            # (B, H*W, D_gat) gather
    gathered = jnp.where(valid[..., None], gathered, 0.0)  # scatter-overwrite into zeros semantics
    f_g_pixel = jnp.transpose(gathered, (0, 2, 1)).reshape(Bn, f_g.shape[1], Hn, Wn)
    f_fused = jnp.concatenate([f_u_combined, f_g_pixel], axis=1)
    return f_fused

if __name__ == "__main__":
    import jax
    _d = setup_inputs()
    print(jax.jit(kernel)(*tuple(_d.values())))

</pallas_src>

<mosaic_0001>
#map = affine_map<(d0, d1) -> (0, 0)>
#map1 = affine_map<(d0, d1) -> (0, 0, 0)>
#map2 = affine_map<(d0, d1) -> (0, 0, 0, 0)>
module attributes {stable_mosaic.version = 14 : i64} {
  func.func @_sc_gather(%arg0: i32, %arg1: i32, %arg2: memref<2048x128xf32, #tpu.memory_space<hbm>>, %arg3: memref<4x128x128xi32, #tpu.memory_space<hbm>>, %arg4: memref<4x256x128x128xf32, #tpu.memory_space<hbm>>, %arg5: memref<4x384x128x128xf32, #tpu.memory_space<hbm>>, %arg6: memref<2048x16xf32, #tpu.memory_space<vmem>>, %arg7: memref<16x128xi32, #tpu.memory_space<vmem>>, %arg8: memref<16x16x128xf32, #tpu.memory_space<vmem>>, %arg9: memref<!tpu.dma_semaphore, #tpu.memory_space<semaphore_mem>>) attributes {dimension_semantics = [#tpu.dimension_semantics<core_parallel>, #tpu.dimension_semantics<subcore_parallel>], iteration_bounds = array<i64: 2, 16>, scalar_prefetch = 0 : i64, scratch_operands = 4 : i64, tpu.core_type = #tpu.core_type<sc_vector_subcore>, window_params = [{transform_indices = #map}, {transform_indices = #map1}, {transform_indices = #map2}, {transform_indices = #map2}]} {
    %mul3A = arith.constant 2 : i32
    %mul3A_0 = arith.muli %arg1, %mul3A : i32
    %add3A = arith.addi %mul3A_0, %arg0 : i32
    %jit3A = arith.constant 8 : i32
    %div3A = arith.divsi %add3A, %jit3A : i32
    %sign3A = arith.constant 0 : i32
    %sign3A_1 = arith.cmpi sgt, %add3A, %sign3A : i32
    %sign3A_2 = arith.extui %sign3A_1 : i1 to i32
    %sign3A_3 = arith.constant 0 : i32
    %sign3A_4 = arith.cmpi slt, %add3A, %sign3A_3 : i32
    %sign3A_5 = arith.extui %sign3A_4 : i1 to i32
    %sign3A_6 = arith.subi %sign3A_2, %sign3A_5 : i32
    %sign3A_7 = arith.constant 0 : i32
    %sign3A_8 = arith.cmpi sgt, %jit3A, %sign3A_7 : i32
    %sign3A_9 = arith.extui %sign3A_8 : i1 to i32
    %sign3A_10 = arith.constant 0 : i32
    %sign3A_11 = arith.cmpi slt, %jit3A, %sign3A_10 : i32
    %sign3A_12 = arith.extui %sign3A_11 : i1 to i32
    %sign3A_13 = arith.subi %sign3A_9, %sign3A_12 : i32
    %ne3A = arith.cmpi ne, %sign3A_6, %sign3A_13 : i32
    %rem3A = arith.remsi %add3A, %jit3A : i32
    %ne3A_14 = arith.constant 0 : i32
    %ne3A_15 = arith.cmpi ne, %rem3A, %ne3A_14 : i32
    %and3A = arith.andi %ne3A, %ne3A_15 : i1
    %sub3A = arith.constant 1 : i32
    %sub3A_16 = arith.subi %div3A, %sub3A : i32
    %select_n3A = arith.select %and3A, %sub3A_16, %div3A : i32
    %jit3A_17 = arith.constant 8 : i32
    %eq3A = arith.constant 0 : i32
    %eq3A_18 = arith.cmpi eq, %jit3A_17, %eq3A : i32
    %jit3A_19 = arith.constant 1 : i32
    %select_n3A_20 = arith.select %eq3A_18, %jit3A_19, %jit3A_17 : i32
    %rem3A_21 = arith.remsi %add3A, %select_n3A_20 : i32
    %ne3A_22 = arith.constant 0 : i32
    %ne3A_23 = arith.cmpi ne, %rem3A_21, %ne3A_22 : i32
    %lt3A = arith.constant 0 : i32
    %lt3A_24 = arith.cmpi slt, %rem3A_21, %lt3A : i32
    %lt3A_25 = arith.constant 0 : i32
    %lt3A_26 = arith.cmpi slt, %select_n3A_20, %lt3A_25 : i32
    %ne3A_27 = arith.xori %lt3A_24, %lt3A_26 : i1
    %and3A_28 = arith.andi %ne3A_27, %ne3A_23 : i1
    %add3A_29 = arith.addi %rem3A_21, %select_n3A_20 : i32
    %select_n3A_30 = arith.select %and3A_28, %add3A_29, %rem3A_21 : i32
    %mul3A_31 = arith.constant 16 : i32
    %mul3A_32 = arith.muli %select_n3A_30, %mul3A_31 : i32
    %jit3A_33 = arith.constant 8 : i32
    %eq3A_34 = arith.constant 0 : i32
    %eq3A_35 = arith.cmpi eq, %jit3A_33, %eq3A_34 : i32
    %jit3A_36 = arith.constant 1 : i32
    %select_n3A_37 = arith.select %eq3A_35, %jit3A_36, %jit3A_33 : i32
    %rem3A_38 = arith.remsi %add3A, %select_n3A_37 : i32
    %ne3A_39 = arith.constant 0 : i32
    %ne3A_40 = arith.cmpi ne, %rem3A_38, %ne3A_39 : i32
    %lt3A_41 = arith.constant 0 : i32
    %lt3A_42 = arith.cmpi slt, %rem3A_38, %lt3A_41 : i32
    %lt3A_43 = arith.constant 0 : i32
    %lt3A_44 = arith.cmpi slt, %select_n3A_37, %lt3A_43 : i32
    %ne3A_45 = arith.xori %lt3A_42, %lt3A_44 : i1
    %and3A_46 = arith.andi %ne3A_45, %ne3A_40 : i1
    %add3A_47 = arith.addi %rem3A_38, %select_n3A_37 : i32
    %select_n3A_48 = arith.select %and3A_46, %add3A_47, %rem3A_38 : i32
    %mul3A_49 = arith.constant 32 : i32
    %mul3A_50 = arith.muli %select_n3A_48, %mul3A_49 : i32
    %dma_start3A = arith.constant 0 : i32
    %dma_start3A_51 = arith.constant 0 : i32
    %dma_start3A_52 = tpu.memref_slice %arg5[%select_n3A, %mul3A_50, %dma_start3A, %dma_start3A_51] : memref<4x384x128x128xf32, #tpu.memory_space<hbm>> -> memref<1x32x128x128xf32, #tpu.memory_space<hbm>>
    %dma_start3A_53 = tpu.memref_squeeze %dma_start3A_52 : memref<1x32x128x128xf32, #tpu.memory_space<hbm>> -> memref<32x128x128xf32, #tpu.memory_space<hbm>>
    %dma_start3A_54 = arith.constant 0 : i32
    %dma_start3A_55 = arith.constant 0 : i32
    %dma_start3A_56 = tpu.memref_slice %arg4[%select_n3A, %mul3A_50, %dma_start3A_54, %dma_start3A_55] : memref<4x256x128x128xf32, #tpu.memory_space<hbm>> -> memref<1x32x128x128xf32, #tpu.memory_space<hbm>>
    %dma_start3A_57 = tpu.memref_squeeze %dma_start3A_56 : memref<1x32x128x128xf32, #tpu.memory_space<hbm>> -> memref<32x128x128xf32, #tpu.memory_space<hbm>>
    tpu.enqueue_dma source(%dma_start3A_57 : memref<32x128x128xf32, #tpu.memory_space<hbm>>) target(%dma_start3A_53 : memref<32x128x128xf32, #tpu.memory_space<hbm>>) target_semaphore(%arg9 : memref<!tpu.dma_semaphore, #tpu.memory_space<semaphore_mem>>)
    "tpu.region"() ({
      %run_scoped3A = tpu.sem_alloc : memref<!tpu.dma_semaphore, #tpu.memory_space<semaphore_mem>>
      %dma_start3A_70 = arith.constant 0 : i32
      %dma_start3A_71 = tpu.memref_slice %arg2[%dma_start3A_70, %mul3A_32] : memref<2048x128xf32, #tpu.memory_space<hbm>> -> memref<2048x16xf32, #tpu.memory_space<hbm>>
      %dma_start3A_72 = arith.constant 0 : i32
      %dma_start3A_73 = tpu.memref_slice %arg2[%dma_start3A_72, %mul3A_32] : memref<2048x128xf32, #tpu.memory_space<hbm>> -> memref<2048x16xf32, #tpu.memory_space<hbm>>
      tpu.enqueue_dma source(%dma_start3A_73 : memref<2048x16xf32, #tpu.memory_space<hbm>>) target(%arg6 : memref<2048x16xf32, #tpu.memory_space<vmem>>) target_semaphore(%run_scoped3A : memref<!tpu.dma_semaphore, #tpu.memory_space<semaphore_mem>>)
      %dma_wait3A_74 = arith.constant 0 : i32
      %dma_wait3A_75 = tpu.memref_slice %arg2[%dma_wait3A_74, %mul3A_32] : memref<2048x128xf32, #tpu.memory_space<hbm>> -> memref<2048x16xf32, #tpu.memory_space<hbm>>
      %dma_wait3A_76 = arith.constant 0 : i32
      %dma_wait3A_77 = tpu.memref_slice %arg2[%dma_wait3A_76, %mul3A_32] : memref<2048x128xf32, #tpu.memory_space<hbm>> -> memref<2048x16xf32, #tpu.memory_space<hbm>>
      tpu.wait_dma2 semaphore(%run_scoped3A : memref<!tpu.dma_semaphore, #tpu.memory_space<semaphore_mem>>) src(%dma_wait3A_77 : memref<2048x16xf32, #tpu.memory_space<hbm>>) dst(%arg6 : memref<2048x16xf32, #tpu.memory_space<vmem>>)
      tpu.yield
    }) : () -> ()
    %scan3A = arith.constant 0 : i32
    %scan3A_58 = arith.constant 0 : i32
    %scan3A_59 = arith.constant 8 : i32
    %scan3A_60 = arith.addi %scan3A_58, %scan3A_59 : i32
    %scan3A_61 = arith.constant 1 : i32
    scf.for %scan3A_70 = %scan3A_58 to %scan3A_60 step %scan3A_61  : i32 {
      %mul3A_71 = arith.constant 16 : i32
      %mul3A_72 = arith.muli %scan3A_70, %mul3A_71 : i32
      "tpu.region"() ({
        %run_scoped3A = tpu.sem_alloc : memref<!tpu.dma_semaphore, #tpu.memory_space<semaphore_mem>>
        %dma_start3A_83 = arith.constant 0 : i32
        %dma_start3A_84 = tpu.memref_slice %arg3[%select_n3A, %mul3A_72, %dma_start3A_83] : memref<4x128x128xi32, #tpu.memory_space<hbm>> -> memref<1x16x128xi32, #tpu.memory_space<hbm>>
        %dma_start3A_85 = tpu.memref_squeeze %dma_start3A_84 : memref<1x16x128xi32, #tpu.memory_space<hbm>> -> memref<16x128xi32, #tpu.memory_space<hbm>>
        %dma_start3A_86 = arith.constant 0 : i32
        %dma_start3A_87 = tpu.memref_slice %arg3[%select_n3A, %mul3A_72, %dma_start3A_86] : memref<4x128x128xi32, #tpu.memory_space<hbm>> -> memref<1x16x128xi32, #tpu.memory_space<hbm>>
        %dma_start3A_88 = tpu.memref_squeeze %dma_start3A_87 : memref<1x16x128xi32, #tpu.memory_space<hbm>> -> memref<16x128xi32, #tpu.memory_space<hbm>>
        tpu.enqueue_dma source(%dma_start3A_88 : memref<16x128xi32, #tpu.memory_space<hbm>>) target(%arg7 : memref<16x128xi32, #tpu.memory_space<vmem>>) target_semaphore(%run_scoped3A : memref<!tpu.dma_semaphore, #tpu.memory_space<semaphore_mem>>)
        %dma_wait3A_89 = arith.constant 0 : i32
        %dma_wait3A_90 = tpu.memref_slice %arg3[%select_n3A, %mul3A_72, %dma_wait3A_89] : memref<4x128x128xi32, #tpu.memory_space<hbm>> -> memref<1x16x128xi32, #tpu.memory_space<hbm>>
        %dma_wait3A_91 = tpu.memref_squeeze %dma_wait3A_90 : memref<1x16x128xi32, #tpu.memory_space<hbm>> -> memref<16x128xi32, #tpu.memory_space<hbm>>
        %dma_wait3A_92 = arith.constant 0 : i32
        %dma_wait3A_93 = tpu.memref_slice %arg3[%select_n3A, %mul3A_72, %dma_wait3A_92] : memref<4x128x128xi32, #tpu.memory_space<hbm>> -> memref<1x16x128xi32, #tpu.memory_space<hbm>>
        %dma_wait3A_94 = tpu.memref_squeeze %dma_wait3A_93 : memref<1x16x128xi32, #tpu.memory_space<hbm>> -> memref<16x128xi32, #tpu.memory_space<hbm>>
        tpu.wait_dma2 semaphore(%run_scoped3A : memref<!tpu.dma_semaphore, #tpu.memory_space<semaphore_mem>>) src(%dma_wait3A_94 : memref<16x128xi32, #tpu.memory_space<hbm>>) dst(%arg7 : memref<16x128xi32, #tpu.memory_space<vmem>>)
        tpu.yield
      }) : () -> ()
      %scan3A_73 = arith.constant 0 : i32
      %scan3A_74 = arith.constant 0 : i32
      %scan3A_75 = arith.constant 128 : i32
      %scan3A_76 = arith.addi %scan3A_74, %scan3A_75 : i32
      %scan3A_77 = arith.constant 1 : i32
      scf.for %scan3A_83 = %scan3A_74 to %scan3A_76 step %scan3A_77  : i32 {
        %jit3A_84 = arith.constant 8 : i32
        %div3A_85 = arith.divsi %scan3A_83, %jit3A_84 : i32
        %sign3A_86 = arith.constant 0 : i32
        %sign3A_87 = arith.cmpi sgt, %scan3A_83, %sign3A_86 : i32
        %sign3A_88 = arith.extui %sign3A_87 : i1 to i32
        %sign3A_89 = arith.constant 0 : i32
        %sign3A_90 = arith.cmpi slt, %scan3A_83, %sign3A_89 : i32
        %sign3A_91 = arith.extui %sign3A_90 : i1 to i32
        %sign3A_92 = arith.subi %sign3A_88, %sign3A_91 : i32
        %sign3A_93 = arith.constant 0 : i32
        %sign3A_94 = arith.cmpi sgt, %jit3A_84, %sign3A_93 : i32
        %sign3A_95 = arith.extui %sign3A_94 : i1 to i32
        %sign3A_96 = arith.constant 0 : i32
        %sign3A_97 = arith.cmpi slt, %jit3A_84, %sign3A_96 : i32
        %sign3A_98 = arith.extui %sign3A_97 : i1 to i32
        %sign3A_99 = arith.subi %sign3A_95, %sign3A_98 : i32
        %ne3A_100 = arith.cmpi ne, %sign3A_92, %sign3A_99 : i32
        %rem3A_101 = arith.remsi %scan3A_83, %jit3A_84 : i32
        %ne3A_102 = arith.constant 0 : i32
        %ne3A_103 = arith.cmpi ne, %rem3A_101, %ne3A_102 : i32
        %and3A_104 = arith.andi %ne3A_100, %ne3A_103 : i1
        %sub3A_105 = arith.constant 1 : i32
        %sub3A_106 = arith.subi %div3A_85, %sub3A_105 : i32
        %select_n3A_107 = arith.select %and3A_104, %sub3A_106, %div3A_85 : i32
        %jit3A_108 = arith.constant 8 : i32
        %eq3A_109 = arith.constant 0 : i32
        %eq3A_110 = arith.cmpi eq, %jit3A_108, %eq3A_109 : i32
        %jit3A_111 = arith.constant 1 : i32
        %select_n3A_112 = arith.select %eq3A_110, %jit3A_111, %jit3A_108 : i32
        %rem3A_113 = arith.remsi %scan3A_83, %select_n3A_112 : i32
        %ne3A_114 = arith.constant 0 : i32
        %ne3A_115 = arith.cmpi ne, %rem3A_113, %ne3A_114 : i32
        %lt3A_116 = arith.constant 0 : i32
        %lt3A_117 = arith.cmpi slt, %rem3A_113, %lt3A_116 : i32
        %lt3A_118 = arith.constant 0 : i32
        %lt3A_119 = arith.cmpi slt, %select_n3A_112, %lt3A_118 : i32
        %ne3A_120 = arith.xori %lt3A_117, %lt3A_119 : i1
        %and3A_121 = arith.andi %ne3A_120, %ne3A_115 : i1
        %add3A_122 = arith.addi %rem3A_113, %select_n3A_112 : i32
        %select_n3A_123 = arith.select %and3A_121, %add3A_122, %rem3A_113 : i32
        %mul3A_124 = arith.constant 16 : i32
        %mul3A_125 = arith.muli %select_n3A_123, %mul3A_124 : i32
        %get3A = arith.index_cast %select_n3A_107 : i32 to index
        %get3A_126 = arith.index_cast %mul3A_125 : i32 to index
        %get3A_127 = tpu.vector_load %arg7[%get3A, %get3A_126] {strides = array<i32>} : memref<16x128xi32, #tpu.memory_space<vmem>>, vector<16xi32>,
        %broadcast_in_dim3A = arith.constant 0 : i32
        %broadcast_in_dim3A_128 = vector.broadcast %broadcast_in_dim3A : i32 to vector<16xi32>
        %gather3A = tpu.vector_load_idx %arg6[%get3A_127, %broadcast_in_dim3A_128] : memref<2048x16xf32, #tpu.memory_space<vmem>>[vector<16xi32>, vector<16xi32>], vector<16xf32>,
        %swap3A = arith.constant 0 : i32
        %swap3A_129 = arith.index_cast %swap3A : i32 to index
        %swap3A_130 = arith.index_cast %select_n3A_107 : i32 to index
        %swap3A_131 = arith.index_cast %mul3A_125 : i32 to index
        %swap3A_132 = tpu.vector_load %arg8[%swap3A_129, %swap3A_130, %swap3A_131] {strides = array<i32>} : memref<16x16x128xf32, #tpu.memory_space<vmem>>, vector<16xf32>,
        tpu.vector_store %arg8[%swap3A_129, %swap3A_130, %swap3A_131], %gather3A {strides = array<i32>} : memref<16x16x128xf32, #tpu.memory_space<vmem>>, vector<16xf32>,
        %broadcast_in_dim3A_133 = arith.constant 1 : i32
        %broadcast_in_dim3A_134 = vector.broadcast %broadcast_in_dim3A_133 : i32 to vector<16xi32>
        %gather3A_135 = tpu.vector_load_idx %arg6[%get3A_127, %broadcast_in_dim3A_134] : memref<2048x16xf32, #tpu.memory_space<vmem>>[vector<16xi32>, vector<16xi32>], vector<16xf32>,
        %swap3A_136 = arith.constant 1 : i32
        %swap3A_137 = arith.index_cast %swap3A_136 : i32 to index
        %swap3A_138 = arith.index_cast %select_n3A_107 : i32 to index
        %swap3A_139 = arith.index_cast %mul3A_125 : i32 to index
        %swap3A_140 = tpu.vector_load %arg8[%swap3A_137, %swap3A_138, %swap3A_139] {strides = array<i32>} : memref<16x16x128xf32, #tpu.memory_space<vmem>>, vector<16xf32>,
        tpu.vector_store %arg8[%swap3A_137, %swap3A_138, %swap3A_139], %gather3A_135 {strides = array<i32>} : memref<16x16x128xf32, #tpu.memory_space<vmem>>, vector<16xf32>,
        %broadcast_in_dim3A_141 = arith.constant 2 : i32
        %broadcast_in_dim3A_142 = vector.broadcast %broadcast_in_dim3A_141 : i32 to vector<16xi32>
        %gather3A_143 = tpu.vector_load_idx %arg6[%get3A_127, %broadcast_in_dim3A_142] : memref<2048x16xf32, #tpu.memory_space<vmem>>[vector<16xi32>, vector<16xi32>], vector<16xf32>,
        %swap3A_144 = arith.constant 2 : i32
        %swap3A_145 = arith.index_cast %swap3A_144 : i32 to index
        %swap3A_146 = arith.index_cast %select_n3A_107 : i32 to index
        %swap3A_147 = arith.index_cast %mul3A_125 : i32 to index
        %swap3A_148 = tpu.vector_load %arg8[%swap3A_145, %swap3A_146, %swap3A_147] {strides = array<i32>} : memref<16x16x128xf32, #tpu.memory_space<vmem>>, vector<16xf32>,
        tpu.vector_store %arg8[%swap3A_145, %swap3A_146, %swap3A_147], %gather3A_143 {strides = array<i32>} : memref<16x16x128xf32, #tpu.memory_space<vmem>>, vector<16xf32>,
        %broadcast_in_dim3A_149 = arith.constant 3 : i32
        %broadcast_in_dim3A_150 = vector.broadcast %broadcast_in_dim3A_149 : i32 to vector<16xi32>
        %gather3A_151 = tpu.vector_load_idx %arg6[%get3A_127, %broadcast_in_dim3A_150] : memref<2048x16xf32, #tpu.memory_space<vmem>>[vector<16xi32>, vector<16xi32>], vector<16xf32>,
        %swap3A_152 = arith.constant 3 : i32
        %swap3A_153 = arith.index_cast %swap3A_152 : i32 to index
        %swap3A_154 = arith.index_cast %select_n3A_107 : i32 to index
        %swap3A_155 = arith.index_cast %mul3A_125 : i32 to index
        %swap3A_156 = tpu.vector_load %arg8[%swap3A_153, %swap3A_154, %swap3A_155] {strides = array<i32>} : memref<16x16x128xf32, #tpu.memory_space<vmem>>, vector<16xf32>,
        tpu.vector_store %arg8[%swap3A_153, %swap3A_154, %swap3A_155], %gather3A_151 {strides = array<i32>} : memref<16x16x128xf32, #tpu.memory_space<vmem>>, vector<16xf32>,
        %broadcast_in_dim3A_157 = arith.constant 4 : i32
        %broadcast_in_dim3A_158 = vector.broadcast %broadcast_in_dim3A_157 : i32 to vector<16xi32>
        %gather3A_159 = tpu.vector_load_idx %arg6[%get3A_127, %broadcast_in_dim3A_158] : memref<2048x16xf32, #tpu.memory_space<vmem>>[vector<16xi32>, vector<16xi32>], vector<16xf32>,
        %swap3A_160 = arith.constant 4 : i32
        %swap3A_161 = arith.index_cast %swap3A_160 : i32 to index
        %swap3A_162 = arith.index_cast %select_n3A_107 : i32 to index
        %swap3A_163 = arith.index_cast %mul3A_125 : i32 to index
        %swap3A_164 = tpu.vector_load %arg8[%swap3A_161, %swap3A_162, %swap3A_163] {strides = array<i32>} : memref<16x16x128xf32, #tpu.memory_space<vmem>>, vector<16xf32>,
        tpu.vector_store %arg8[%swap3A_161, %swap3A_162, %swap3A_163], %gather3A_159 {strides = array<i32>} : memref<16x16x128xf32, #tpu.memory_space<vmem>>, vector<16xf32>,
        %broadcast_in_dim3A_165 = arith.constant 5 : i32
        %broadcast_in_dim3A_166 = vector.broadcast %broadcast_in_dim3A_165 : i32 to vector<16xi32>
        %gather3A_167 = tpu.vector_load_idx %arg6[%get3A_127, %broadcast_in_dim3A_166] : memref<2048x16xf32, #tpu.memory_space<vmem>>[vector<16xi32>, vector<16xi32>], vector<16xf32>,
        %swap3A_168 = arith.constant 5 : i32
        %swap3A_169 = arith.index_cast %swap3A_168 : i32 to index
        %swap3A_170 = arith.index_cast %select_n3A_107 : i32 to index
        %swap3A_171 = arith.index_cast %mul3A_125 : i32 to index
        %swap3A_172 = tpu.vector_load %arg8[%swap3A_169, %swap3A_170, %swap3A_171] {strides = array<i32>} : memref<16x16x128xf32, #tpu.memory_space<vmem>>, vector<16xf32>,
        tpu.vector_store %arg8[%swap3A_169, %swap3A_170, %swap3A_171], %gather3A_167 {strides = array<i32>} : memref<16x16x128xf32, #tpu.memory_space<vmem>>, vector<16xf32>,
        %broadcast_in_dim3A_173 = arith.constant 6 : i32
        %broadcast_in_dim3A_174 = vector.broadcast %broadcast_in_dim3A_173 : i32 to vector<16xi32>
        %gather3A_175 = tpu.vector_load_idx %arg6[%get3A_127, %broadcast_in_dim3A_174] : memref<2048x16xf32, #tpu.memory_space<vmem>>[vector<16xi32>, vector<16xi32>], vector<16xf32>,
        %swap3A_176 = arith.constant 6 : i32
        %swap3A_177 = arith.index_cast %swap3A_176 : i32 to index
        %swap3A_178 = arith.index_cast %select_n3A_107 : i32 to index
        %swap3A_179 = arith.index_cast %mul3A_125 : i32 to index
        %swap3A_180 = tpu.vector_load %arg8[%swap3A_177, %swap3A_178, %swap3A_179] {strides = array<i32>} : memref<16x16x128xf32, #tpu.memory_space<vmem>>, vector<16xf32>,
        tpu.vector_store %arg8[%swap3A_177, %swap3A_178, %swap3A_179], %gather3A_175 {strides = array<i32>} : memref<16x16x128xf32, #tpu.memory_space<vmem>>, vector<16xf32>,
        %broadcast_in_dim3A_181 = arith.constant 7 : i32
        %broadcast_in_dim3A_182 = vector.broadcast %broadcast_in_dim3A_181 : i32 to vector<16xi32>
        %gather3A_183 = tpu.vector_load_idx %arg6[%get3A_127, %broadcast_in_dim3A_182] : memref<2048x16xf32, #tpu.memory_space<vmem>>[vector<16xi32>, vector<16xi32>], vector<16xf32>,
        %swap3A_184 = arith.constant 7 : i32
        %swap3A_185 = arith.index_cast %swap3A_184 : i32 to index
        %swap3A_186 = arith.index_cast %select_n3A_107 : i32 to index
        %swap3A_187 = arith.index_cast %mul3A_125 : i32 to index
        %swap3A_188 = tpu.vector_load %arg8[%swap3A_185, %swap3A_186, %swap3A_187] {strides = array<i32>} : memref<16x16x128xf32, #tpu.memory_space<vmem>>, vector<16xf32>,
        tpu.vector_store %arg8[%swap3A_185, %swap3A_186, %swap3A_187], %gather3A_183 {strides = array<i32>} : memref<16x16x128xf32, #tpu.memory_space<vmem>>, vector<16xf32>,
        %broadcast_in_dim3A_189 = arith.constant 8 : i32
        %broadcast_in_dim3A_190 = vector.broadcast %broadcast_in_dim3A_189 : i32 to vector<16xi32>
        %gather3A_191 = tpu.vector_load_idx %arg6[%get3A_127, %broadcast_in_dim3A_190] : memref<2048x16xf32, #tpu.memory_space<vmem>>[vector<16xi32>, vector<16xi32>], vector<16xf32>,
        %swap3A_192 = arith.constant 8 : i32
        %swap3A_193 = arith.index_cast %swap3A_192 : i32 to index
        %swap3A_194 = arith.index_cast %select_n3A_107 : i32 to index
        %swap3A_195 = arith.index_cast %mul3A_125 : i32 to index
        %swap3A_196 = tpu.vector_load %arg8[%swap3A_193, %swap3A_194, %swap3A_195] {strides = array<i32>} : memref<16x16x128xf32, #tpu.memory_space<vmem>>, vector<16xf32>,
        tpu.vector_store %arg8[%swap3A_193, %swap3A_194, %swap3A_195], %gather3A_191 {strides = array<i32>} : memref<16x16x128xf32, #tpu.memory_space<vmem>>, vector<16xf32>,
        %broadcast_in_dim3A_197 = arith.constant 9 : i32
        %broadcast_in_dim3A_198 = vector.broadcast %broadcast_in_dim3A_197 : i32 to vector<16xi32>
        %gather3A_199 = tpu.vector_load_idx %arg6[%get3A_127, %broadcast_in_dim3A_198] : memref<2048x16xf32, #tpu.memory_space<vmem>>[vector<16xi32>, vector<16xi32>], vector<16xf32>,
        %swap3A_200 = arith.constant 9 : i32
        %swap3A_201 = arith.index_cast %swap3A_200 : i32 to index
        %swap3A_202 = arith.index_cast %select_n3A_107 : i32 to index
        %swap3A_203 = arith.index_cast %mul3A_125 : i32 to index
        %swap3A_204 = tpu.vector_load %arg8[%swap3A_201, %swap3A_202, %swap3A_203] {strides = array<i32>} : memref<16x16x128xf32, #tpu.memory_space<vmem>>, vector<16xf32>,
        tpu.vector_store %arg8[%swap3A_201, %swap3A_202, %swap3A_203], %gather3A_199 {strides = array<i32>} : memref<16x16x128xf32, #tpu.memory_space<vmem>>, vector<16xf32>,
        %broadcast_in_dim3A_205 = arith.constant 10 : i32
        %broadcast_in_dim3A_206 = vector.broadcast %broadcast_in_dim3A_205 : i32 to vector<16xi32>
        %gather3A_207 = tpu.vector_load_idx %arg6[%get3A_127, %broadcast_in_dim3A_206] : memref<2048x16xf32, #tpu.memory_space<vmem>>[vector<16xi32>, vector<16xi32>], vector<16xf32>,
        %swap3A_208 = arith.constant 10 : i32
        %swap3A_209 = arith.index_cast %swap3A_208 : i32 to index
        %swap3A_210 = arith.index_cast %select_n3A_107 : i32 to index
        %swap3A_211 = arith.index_cast %mul3A_125 : i32 to index
        %swap3A_212 = tpu.vector_load %arg8[%swap3A_209, %swap3A_210, %swap3A_211] {strides = array<i32>} : memref<16x16x128xf32, #tpu.memory_space<vmem>>, vector<16xf32>,
        tpu.vector_store %arg8[%swap3A_209, %swap3A_210, %swap3A_211], %gather3A_207 {strides = array<i32>} : memref<16x16x128xf32, #tpu.memory_space<vmem>>, vector<16xf32>,
        %broadcast_in_dim3A_213 = arith.constant 11 : i32
        %broadcast_in_dim3A_214 = vector.broadcast %broadcast_in_dim3A_213 : i32 to vector<16xi32>
        %gather3A_215 = tpu.vector_load_idx %arg6[%get3A_127, %broadcast_in_dim3A_214] : memref<2048x16xf32, #tpu.memory_space<vmem>>[vector<16xi32>, vector<16xi32>], vector<16xf32>,
        %swap3A_216 = arith.constant 11 : i32
        %swap3A_217 = arith.index_cast %swap3A_216 : i32 to index
        %swap3A_218 = arith.index_cast %select_n3A_107 : i32 to index
        %swap3A_219 = arith.index_cast %mul3A_125 : i32 to index
        %swap3A_220 = tpu.vector_load %arg8[%swap3A_217, %swap3A_218, %swap3A_219] {strides = array<i32>} : memref<16x16x128xf32, #tpu.memory_space<vmem>>, vector<16xf32>,
        tpu.vector_store %arg8[%swap3A_217, %swap3A_218, %swap3A_219], %gather3A_215 {strides = array<i32>} : memref<16x16x128xf32, #tpu.memory_space<vmem>>, vector<16xf32>,
        %broadcast_in_dim3A_221 = arith.constant 12 : i32
        %broadcast_in_dim3A_222 = vector.broadcast %broadcast_in_dim3A_221 : i32 to vector<16xi32>
        %gather3A_223 = tpu.vector_load_idx %arg6[%get3A_127, %broadcast_in_dim3A_222] : memref<2048x16xf32, #tpu.memory_space<vmem>>[vector<16xi32>, vector<16xi32>], vector<16xf32>,
        %swap3A_224 = arith.constant 12 : i32
        %swap3A_225 = arith.index_cast %swap3A_224 : i32 to index
        %swap3A_226 = arith.index_cast %select_n3A_107 : i32 to index
        %swap3A_227 = arith.index_cast %mul3A_125 : i32 to index
        %swap3A_228 = tpu.vector_load %arg8[%swap3A_225, %swap3A_226, %swap3A_227] {strides = array<i32>} : memref<16x16x128xf32, #tpu.memory_space<vmem>>, vector<16xf32>,
        tpu.vector_store %arg8[%swap3A_225, %swap3A_226, %swap3A_227], %gather3A_223 {strides = array<i32>} : memref<16x16x128xf32, #tpu.memory_space<vmem>>, vector<16xf32>,
        %broadcast_in_dim3A_229 = arith.constant 13 : i32
        %broadcast_in_dim3A_230 = vector.broadcast %broadcast_in_dim3A_229 : i32 to vector<16xi32>
        %gather3A_231 = tpu.vector_load_idx %arg6[%get3A_127, %broadcast_in_dim3A_230] : memref<2048x16xf32, #tpu.memory_space<vmem>>[vector<16xi32>, vector<16xi32>], vector<16xf32>,
        %swap3A_232 = arith.constant 13 : i32
        %swap3A_233 = arith.index_cast %swap3A_232 : i32 to index
        %swap3A_234 = arith.index_cast %select_n3A_107 : i32 to index
        %swap3A_235 = arith.index_cast %mul3A_125 : i32 to index
        %swap3A_236 = tpu.vector_load %arg8[%swap3A_233, %swap3A_234, %swap3A_235] {strides = array<i32>} : memref<16x16x128xf32, #tpu.memory_space<vmem>>, vector<16xf32>,
        tpu.vector_store %arg8[%swap3A_233, %swap3A_234, %swap3A_235], %gather3A_231 {strides = array<i32>} : memref<16x16x128xf32, #tpu.memory_space<vmem>>, vector<16xf32>,
        %broadcast_in_dim3A_237 = arith.constant 14 : i32
        %broadcast_in_dim3A_238 = vector.broadcast %broadcast_in_dim3A_237 : i32 to vector<16xi32>
        %gather3A_239 = tpu.vector_load_idx %arg6[%get3A_127, %broadcast_in_dim3A_238] : memref<2048x16xf32, #tpu.memory_space<vmem>>[vector<16xi32>, vector<16xi32>], vector<16xf32>,
        %swap3A_240 = arith.constant 14 : i32
        %swap3A_241 = arith.index_cast %swap3A_240 : i32 to index
        %swap3A_242 = arith.index_cast %select_n3A_107 : i32 to index
        %swap3A_243 = arith.index_cast %mul3A_125 : i32 to index
        %swap3A_244 = tpu.vector_load %arg8[%swap3A_241, %swap3A_242, %swap3A_243] {strides = array<i32>} : memref<16x16x128xf32, #tpu.memory_space<vmem>>, vector<16xf32>,
        tpu.vector_store %arg8[%swap3A_241, %swap3A_242, %swap3A_243], %gather3A_239 {strides = array<i32>} : memref<16x16x128xf32, #tpu.memory_space<vmem>>, vector<16xf32>,
        %broadcast_in_dim3A_245 = arith.constant 15 : i32
        %broadcast_in_dim3A_246 = vector.broadcast %broadcast_in_dim3A_245 : i32 to vector<16xi32>
        %gather3A_247 = tpu.vector_load_idx %arg6[%get3A_127, %broadcast_in_dim3A_246] : memref<2048x16xf32, #tpu.memory_space<vmem>>[vector<16xi32>, vector<16xi32>], vector<16xf32>,
        %swap3A_248 = arith.constant 15 : i32
        %swap3A_249 = arith.index_cast %swap3A_248 : i32 to index
        %swap3A_250 = arith.index_cast %select_n3A_107 : i32 to index
        %swap3A_251 = arith.index_cast %mul3A_125 : i32 to index
        %swap3A_252 = tpu.vector_load %arg8[%swap3A_249, %swap3A_250, %swap3A_251] {strides = array<i32>} : memref<16x16x128xf32, #tpu.memory_space<vmem>>, vector<16xf32>,
        tpu.vector_store %arg8[%swap3A_249, %swap3A_250, %swap3A_251], %gather3A_247 {strides = array<i32>} : memref<16x16x128xf32, #tpu.memory_space<vmem>>, vector<16xf32>,
      }
      %scan3A_78 = arith.constant 128 : i32
      %add3A_79 = arith.constant 256 : i32
      %add3A_80 = arith.addi %add3A_79, %mul3A_32 : i32
      %mul3A_81 = arith.constant 16 : i32
      %mul3A_82 = arith.muli %scan3A_70, %mul3A_81 : i32
      "tpu.region"() ({
        %run_scoped3A = tpu.sem_alloc : memref<!tpu.dma_semaphore, #tpu.memory_space<semaphore_mem>>
        %dma_start3A_83 = arith.constant 0 : i32
        %dma_start3A_84 = tpu.memref_slice %arg5[%select_n3A, %add3A_80, %mul3A_82, %dma_start3A_83] : memref<4x384x128x128xf32, #tpu.memory_space<hbm>> -> memref<1x16x16x128xf32, #tpu.memory_space<hbm>>
        %dma_start3A_85 = tpu.memref_squeeze %dma_start3A_84 : memref<1x16x16x128xf32, #tpu.memory_space<hbm>> -> memref<16x16x128xf32, #tpu.memory_space<hbm>>
        %dma_start3A_86 = arith.constant 0 : i32
        %dma_start3A_87 = tpu.memref_slice %arg5[%select_n3A, %add3A_80, %mul3A_82, %dma_start3A_86] : memref<4x384x128x128xf32, #tpu.memory_space<hbm>> -> memref<1x16x16x128xf32, #tpu.memory_space<hbm>>
        %dma_start3A_88 = tpu.memref_squeeze %dma_start3A_87 : memref<1x16x16x128xf32, #tpu.memory_space<hbm>> -> memref<16x16x128xf32, #tpu.memory_space<hbm>>
        tpu.enqueue_dma source(%arg8 : memref<16x16x128xf32, #tpu.memory_space<vmem>>) target(%dma_start3A_88 : memref<16x16x128xf32, #tpu.memory_space<hbm>>) target_semaphore(%run_scoped3A : memref<!tpu.dma_semaphore, #tpu.memory_space<semaphore_mem>>)
        %dma_wait3A_89 = arith.constant 0 : i32
        %dma_wait3A_90 = tpu.memref_slice %arg5[%select_n3A, %add3A_80, %mul3A_82, %dma_wait3A_89] : memref<4x384x128x128xf32, #tpu.memory_space<hbm>> -> memref<1x16x16x128xf32, #tpu.memory_space<hbm>>
        %dma_wait3A_91 = tpu.memref_squeeze %dma_wait3A_90 : memref<1x16x16x128xf32, #tpu.memory_space<hbm>> -> memref<16x16x128xf32, #tpu.memory_space<hbm>>
        %dma_wait3A_92 = arith.constant 0 : i32
        %dma_wait3A_93 = tpu.memref_slice %arg5[%select_n3A, %add3A_80, %mul3A_82, %dma_wait3A_92] : memref<4x384x128x128xf32, #tpu.memory_space<hbm>> -> memref<1x16x16x128xf32, #tpu.memory_space<hbm>>
        %dma_wait3A_94 = tpu.memref_squeeze %dma_wait3A_93 : memref<1x16x16x128xf32, #tpu.memory_space<hbm>> -> memref<16x16x128xf32, #tpu.memory_space<hbm>>
        tpu.wait_dma2 semaphore(%run_scoped3A : memref<!tpu.dma_semaphore, #tpu.memory_space<semaphore_mem>>) src(%arg8 : memref<16x16x128xf32, #tpu.memory_space<vmem>>) dst(%dma_wait3A_94 : memref<16x16x128xf32, #tpu.memory_space<hbm>>)
        tpu.yield
      }) : () -> ()
    }
    %scan3A_62 = arith.constant 8 : i32
    %dma_wait3A = arith.constant 0 : i32
    %dma_wait3A_63 = arith.constant 0 : i32
    %dma_wait3A_64 = tpu.memref_slice %arg5[%select_n3A, %mul3A_50, %dma_wait3A, %dma_wait3A_63] : memref<4x384x128x128xf32, #tpu.memory_space<hbm>> -> memref<1x32x128x128xf32, #tpu.memory_space<hbm>>
    %dma_wait3A_65 = tpu.memref_squeeze %dma_wait3A_64 : memref<1x32x128x128xf32, #tpu.memory_space<hbm>> -> memref<32x128x128xf32, #tpu.memory_space<hbm>>
    %dma_wait3A_66 = arith.constant 0 : i32
    %dma_wait3A_67 = arith.constant 0 : i32
    %dma_wait3A_68 = tpu.memref_slice %arg4[%select_n3A, %mul3A_50, %dma_wait3A_66, %dma_wait3A_67] : memref<4x256x128x128xf32, #tpu.memory_space<hbm>> -> memref<1x32x128x128xf32, #tpu.memory_space<hbm>>
    %dma_wait3A_69 = tpu.memref_squeeze %dma_wait3A_68 : memref<1x32x128x128xf32, #tpu.memory_space<hbm>> -> memref<32x128x128xf32, #tpu.memory_space<hbm>>
    tpu.wait_dma2 semaphore(%arg9 : memref<!tpu.dma_semaphore, #tpu.memory_space<semaphore_mem>>) src(%dma_wait3A_69 : memref<32x128x128xf32, #tpu.memory_space<hbm>>) dst(%dma_wait3A_65 : memref<32x128x128xf32, #tpu.memory_space<hbm>>)
    return
  }
}

</mosaic_0001>

<sc_bundles>
// kernel: kernel.3.cloned.1.call-start
scs
__scs_entry_jumppad:
0x0: {  	(pc) =	sbr.rel $0x88, $3  }
0x1: {  	(tag) =	ssettag $0x0;
	lr =	simm.s32 $0x1  }
0x2: {  	[smem:$0x3F9E] =	sst lr;
	_ =	strace $0xD0000000  }
0x3: {  	_ = 	snop  }
0x4: {  	_ = 	snop  }
0x5: {  	_ = 	snop  }
0x6: {  	_ = 	snop  }
0x7: {  	_ = 	snop  }
__scs_overlays_trampoline_lowered:
0x8: {  	[smem:$0x3FAD] =	sst s0  }
0x9: {  	[smem:$0x3FAE] =	sst s1  }
0xa: {  	[smem:$0x3FAF] =	sst s2  }
0xb: {  	[smem:$0x3FB0] =	sst s3  }
0xc: {  	[smem:$0x3FB1] =	sst s4  }
0xd: {  	[smem:$0x3FB2] =	sst s5  }
0xe: {  	[smem:$0x3FB3] =	sst s6  }
0xf: {  	[smem:$0x3FB4] =	sst s7  }
0x10: {  	[smem:$0x3FB5] =	sst s8  }
0x11: {  	[smem:$0x3FB6] =	sst s9;
	s0 =	simm.s32 @!p0 $0x0  }
0x12: {  	s1 =	sld [smem:$0x3F9C];
	s0 =	simm.s32 @p0 $0x1  }
0x13: {  	[smem:$0x3FB7] =	sst s0;
	s0 =	simm.s32 @!p1 $0x0  }
0x14: {  	s2 =	sld [smem:$0x3F9B];
	s0 =	simm.s32 @p1 $0x1  }
0x15: {  	[smem:$0x3FB8] =	sst s0;
	s0 =	simm.s32 @!p2 $0x0  }
0x16: {  	s3 =	sld [smem:$0x3FDB];
	s0 =	simm.s32 @p2 $0x1  }
0x17: {  	s4 =	simm.s32 $0x1BF5;
	[smem:$0x3FBA] =	sst s0  }
0x18: {  	s0 =	sld [smem:$0x3F9D];
	_ =	swait.ge [sflag:s4], $0x0  }
0x19: {  	s7 =	sld [smem:$0x3F9E]  }
0x1a: {  	s8 =	sadd.s32 $0xFFFFE003, lr  }
0x1b: {  	s9 =	sadd.s32 $0xFFFFFEF7, lr;
	s5 =	simm.s32 $0xFFFFFFFF;
	p2 =	slt.u32 s8, $0xFFFFF086  }
0x1c: {  	p1 =	slt.u32 s9, $0xF7A;
	s5 =	simm.s32 @!p2 $0x0  }
0x1d: {  	s5 =	simm.s32 @p1 $0x1;
	p0 =	seq.s32 s7, s2  }
0x1e: {  	s7 =	smul.u32 @!p0 $0xF7A, s2;
	p2 =	seq.s32 @!p0 s5, $0x0  }
0x1f: {  	s9 =	smul.u32 $0xF7A, s1;
	s8 =	simm.s32 @!p0 $0x1BF5;
	p2 =	por !p2, p0  }
0x20: {  	[sflag:s8] =	ssyncset.s32 @!p0 $0xFFFFF086;
	s6 =	sadd.s32 @!p0 s3, s7;
	s7 =	simm.s32 @!p0 $0x108  }
0x21: {  	s3 =	sadd.s32 s3, s9;
	s6 =	sadd.s32 @!p0 $0x88, s6;
	s7 =	simm.s32 @p2 $0x1082  }
0x22: {  	[simem:s7], [sflag:s8] =	dma.local @!p0 [hbm:s6], $0xF7A  }
0x23: {  	s9 =	sor.u32 $0xD0000000, s2;
	s6 =	simm.s32 $0x108;
	_ =	swait.ge @!p0 [sflag:s8], $0x0  }
0x24: {  	s3 =	sadd.s32 $0x88, s3;
	s6 =	simm.s32 @!p1 $0x1082;
	[sflag:s4] =	ssyncset.s32 $0xFFFFF086  }
0x25: {  	[simem:s6], [sflag:s4] =	dma.local [hbm:s3], $0xF7A  }
0x26: {  	[smem:$0x3F9E] =	sst s1;
	(tag) =	ssettag s2;
	_ =	strace s9  }
0x27: {  	s1 =	sld [smem:$0x3FAE]  }
0x28: {  	s2 =	sld [smem:$0x3FAF]  }
0x29: {  	s4 =	sld [smem:$0x3FB1]  }
0x2a: {  	p0 =	seq.s32 s5, $0x0;
	s5 =	sld [smem:$0x3FB2]  }
0x2b: {  	s6 =	sld [smem:$0x3FB3]  }
0x2c: {  	s7 =	sld [smem:$0x3FB4]  }
0x2d: {  	s3 =	simm.s32 $0x108;
	s8 =	sld [smem:$0x3FB5]  }
0x2e: {  	s3 =	simm.s32 @!p0 $0x1082;
	s9 =	sld [smem:$0x3FB6]  }
0x2f: {  	lr =	sadd.s32 s0, s3;
	s0 =	sld [smem:$0x3FAD]  }
0x30: {  	s3 =	sld [smem:$0x3FB0]  }
0x31: {  	[smem:$0x3FB9] =	sst s10  }
0x32: {  	s10 =	sld [smem:$0x3FB7];
	_ =	sdelay $0x3  }
0x33: {  	p0 =	seq.s32 s10, $0x1;
	s10 =	sld [smem:$0x3FB9];
	_ =	sdelay $0x3  }
0x34: {  	[smem:$0x3FB9] =	sst s10  }
0x35: {  	s10 =	sld [smem:$0x3FB8];
	_ =	sdelay $0x3  }
0x36: {  	p1 =	seq.s32 s10, $0x1;
	s10 =	sld [smem:$0x3FB9];
	_ =	sdelay $0x3  }
0x37: {  	[smem:$0x3FB9] =	sst s10  }
0x38: {  	s10 =	sld [smem:$0x3FBA]  }
0x39: {  	_ = 	snop;
	(pc) =	sbr.ind lr, $3  }
0x3a: {  	_ = 	snop  }
0x3b: {  	_ = 	snop  }
0x3c: {  	p2 =	seq.s32 s10, $0x1;
	s10 =	sld [smem:$0x3FB9]  }
0x3d: {  	_ =	shalt  }
0x3e: {  	_ =	shalt  }
0x3f: {  	_ =	shalt  }
0x40: {  	_ =	shalt  }
0x41: {  	_ =	shalt  }
0x42: {  	_ =	shalt  }
0x43: {  	_ =	shalt  }
0x44: {  	_ =	shalt  }
0x45: {  	_ =	shalt  }
0x46: {  	_ =	shalt  }
0x47: {  	_ =	shalt  }
0x48: {  	_ =	shalt  }
0x49: {  	_ =	shalt  }
0x4a: {  	_ =	shalt  }
0x4b: {  	_ =	shalt  }
0x4c: {  	_ =	shalt  }
0x4d: {  	_ =	shalt  }
0x4e: {  	_ =	shalt  }
0x4f: {  	_ =	shalt  }
0x50: {  	_ =	shalt  }
0x51: {  	_ =	shalt  }
0x52: {  	_ =	shalt  }
0x53: {  	_ =	shalt  }
0x54: {  	_ =	shalt  }
0x55: {  	_ =	shalt  }
0x56: {  	_ =	shalt  }
0x57: {  	_ =	shalt  }
0x58: {  	_ =	shalt  }
0x59: {  	_ =	shalt  }
0x5a: {  	_ =	shalt  }
0x5b: {  	_ =	shalt  }
0x5c: {  	_ =	shalt  }
0x5d: {  	_ =	shalt  }
0x5e: {  	_ =	shalt  }
0x5f: {  	_ =	shalt  }
0x60: {  	_ =	shalt  }
0x61: {  	_ =	shalt  }
0x62: {  	_ =	shalt  }
0x63: {  	_ =	shalt  }
0x64: {  	_ =	shalt  }
0x65: {  	_ =	shalt  }
0x66: {  	_ =	shalt  }
0x67: {  	_ =	shalt  }
0x68: {  	_ =	shalt  }
0x69: {  	_ =	shalt  }
0x6a: {  	_ =	shalt  }
0x6b: {  	_ =	shalt  }
0x6c: {  	_ =	shalt  }
0x6d: {  	_ =	shalt  }
0x6e: {  	_ =	shalt  }
0x6f: {  	_ =	shalt  }
0x70: {  	_ =	shalt  }
0x71: {  	_ =	shalt  }
0x72: {  	_ =	shalt  }
0x73: {  	_ =	shalt  }
0x74: {  	_ =	shalt  }
0x75: {  	_ =	shalt  }
0x76: {  	_ =	shalt  }
0x77: {  	_ =	shalt  }
0x78: {  	_ =	shalt  }
0x79: {  	_ =	shalt  }
0x7a: {  	_ =	shalt  }
0x7b: {  	_ =	shalt  }
0x7c: {  	_ =	shalt  }
0x7d: {  	_ =	shalt  }
0x7e: {  	_ =	shalt  }
0x7f: {  	_ =	shalt  }
0x80: {  	_ =	shalt  }
0x81: {  	_ =	shalt  }
0x82: {  	_ =	shalt  }
0x83: {  	_ =	shalt  }
0x84: {  	_ =	shalt  }
0x85: {  	_ =	shalt  }
0x86: {  	_ =	shalt  }
0x87: {  	_ =	shalt  }
.Lfunc_end0:
.L_simem_size_0:
called_computation_lowered:
.L_overlay_start_0:
0x88: {  	s2 =	sld [smem:$0x3FD9]  }
0x89: {  	s3 =	sld [smem:$0x3FFE];
	_ =	sdelay $0x1  }
0x8a: {  	s1 =	srdreg.scid  }
0x8b: {  	s0 =	sand.u32 $0x1, s1  }
0x8c: {  	s18 =	sshll.u32 s0, $0xA;
	s2 =	sadd.s32 s3, s2  }
0x8d: {  	s2 =	sadd.s32 s2, s18  }
0x8e: {  	[smem:$0x3FC5] =	sst s2  }
0x8f: {  	_ = 	snop  }
0x90: {  	s2 =	sld [smem:$0x3FC9]  }
0x91: {  	s19 =	sld [smem:$0x3FC8]  }
0x92: {  	s4 =	sld [smem:$0x3FC7]  }
0x93: {  	s5 =	sld [smem:$0x3FD0];
	(tm) =	ssettm $0x1  }
0x94: {  	s6 =	sld [smem:$0x3FFB];
	_ =	sdelay $0x3  }
0x95: {  	_ =	strace s6  }
0x96: {  	s6 =	sld [smem:$0x3FFC];
	_ =	sdelay $0x3  }
0x97: {  	_ =	strace s6  }
0x98: {  	s6 =	sld [smem:$0x3FFD];
	_ =	sdelay $0x3  }
0x99: {  	_ =	strace s6  }
0x9a: {  	_ =	strace $0x8FFFFFFF  }
0x9b: {  	s20 =	sld [smem:$0x3FDB];
	_ =	sdelay $0x1  }
0x9c: {  	s7 =	simm.s32 $_scs_section_size  }
0x9d: {  	s8 =	simm.s32 $_size__tile_overlayer_lowered;
	s9 =	simm.s32 $_tile_overlayer_lowered  }
0x9e: {  	s23 =	simm.s32 $0x1BFF;
	s22 =	sshll.u32 s9, $0x1;
	s6 =	sadd.s32 s7, s20  }
0x9f: {  	s10 =	simm.s32 $0x0;
	s21 =	sshll.u32 s8, $0x1;
	s8 =	sadd.s32 s22, s6  }
0xa0: {  	[timem:s10], [sflag:s23] =	dma.local [hbm:s8], s21  }
0xa1: {  	_ =	swait.ge [sflag:s23], s21  }
0xa2: {  	s7 =	ssub.s32 $0x0, s21;
	[sflag:s23] =	ssyncset.done $0x0  }
0xa3: {  	[sflag:s23] =	ssyncadd.s32 s7;
	_ =	sdelay $0x1  }
0xa4: {  	s24 =	simm.s32 $0x1B8B  }
0xa5: {  	_ =	swait.ge [sflag:s24], $0x1  }
0xa6: {  	[sflag:s24] =	ssyncset.done $0x0  }
0xa7: {  	s25 =	simm.s32 $0x1B8E;
	[sflag:s24] =	ssyncadd.s32 $0xFFFFFFFF  }
0xa8: {  	s26 =	simm.s32 $execute0_lowered;
	[smem:$0x3FD2] =	sst s25  }
0xa9: {  	s7 =	sshll.u32 s26, $0x1;
	_ =	strace $0x80000046;
	[dreg:$0x1] =	wrdreg $0xFFFFFFFF  }
0xaa: {  	s28 =	simm.s32 $_size_execute0_lowered;
	s6 =	sadd.s32 s6, s7;
	[dreg:$0x0] =	wrdreg $0x0  }
0xab: {  	s7 =	sshll.u32 s28, $0x1;
	[dreg:$0x2] =	wrdreg s6  }
0xac: {  	[dreg:$0x3] =	wrdreg s7  }
0xad: {  	[dreg:$0x4] =	wrdreg $0xC0  }
0xae: {  	_ =	task [dreg:s10], $0x5FFFF  }
0xaf: {  	[dreg:$0x1] =	wrdreg $0xFFFFFFFF  }
0xb0: {  	[dreg:$0x0] =	wrdreg $0x60  }
0xb1: {  	[dreg:$0x2] =	wrdreg s19  }
0xb2: {  	[dreg:$0x3] =	wrdreg s4  }
0xb3: {  	[dreg:$0x4] =	wrdreg s2  }
0xb4: {  	[dreg:$0x5] =	wrdreg s5  }
0xb5: {  	[dreg:$0x6] =	wrdreg $0x9  }
0xb6: {  	_ =	task.clear_ibuf [dreg:s10], $0x7FFFF;
	_ =	strace $0x90000046  }
0xb7: {  	s29 =	simm.s32 $0x9;
	_ =	strace $0x80000048  }
0xb8: {  	_ =	swait.ge [sflag:s29], $0x1  }
0xb9: {  	[sflag:s29] =	ssyncadd.s32 $0xFFFFFFFF  }
0xba: {  	_ =	strace $0x90000048  }
0xbb: {  	_ =	sfence  }
0xbc: {  	s30 =	sld [smem:$0x0];
	_ =	sdelay $0x2  }
0xbd: {  	s31 =	sshll.u32 s1, $0xD;
	s1 =	sshrl.u32 s1, $0x2  }
0xbe: {  	s3 =	sand.u32 $0x4000, s31;
	s1 =	sadd.s32 s1, s30  }
0xbf: {  	s0 =	sor.u32 s3, s0;
	s1 =	sshll.u32 s1, $0x11  }
0xc0: {  	s0 =	sor.u32 s1, s0  }
0xc1: {  	s0 =	sadd.s32 $0x8F2B, s0  }
0xc2: {  	[sflag:s0] =	ssyncadd.remote.s32 $0x1  }
0xc3: {  	_ =	sfence.sel $0xFFFF  }
0xc4: {  	[dreg:$0x0] =	wrdreg $0xFFFFFFFF;
	(pc) =	sbr.abs _section_cstart, $3  }
0xc5: {  	[dreg:$0x1] =	wrdreg $0xFFFFFFFF  }
0xc6: {  	_ =	task.clear_ibuf [dreg:s10], $0x2FFFF;
	_ =	strace $0x9FFFFFFF  }
0xc7: {  	(tm) =	ssettm $0x7FFFFFFF  }
tec
execute0_lowered:
.L_overlay_start_1:
0x0: {  	(tag) =	ssettag $0x1  }
0x1: {  	s8 =	rddreg [dreg:$0x0]  }
0x2: {  	s1 =	rddreg [dreg:$0x1]  }
0x3: {  	s6 =	rddreg [dreg:$0x2]  }
0x4: {  	s3 =	rddreg [dreg:$0x3]  }
0x5: {  	s0 =	rddreg [dreg:$0x4]  }
0x6: {  	s4 =	simm.s32 $0x0;
	s2 =	stileid.u32;
	s5 =	srdreg.scid  }
0x7: {  	s15 =	simm.s32 $0x800;
	s16 =	simm.s32 $0x4000;
	s17 =	simm.s32 $0x8800  }
0x8: {  	s18 =	simm.s32 $0x1;
	s19 =	simm.s32 $0x0;
	[smem:$0x7FF] =	sst s4  }
0x9: {  	s7 =	sshll.u32 s2, $0x1;
	s5 =	sand.u32 $0x1, s5;
	s9 =	sshrl.u32 s2, $0x2  }
0xa: {  	s31 =	sshll.u32 s2, $0x6;
	_ =	strace $0x80000047;
	s7 =	sand.u32 $0x6, s7  }
0xb: {  	s10 =	ssub.s32 $0x2, s5;
	s12 =	smul.u32 $0x600000, s9;
	s13 =	sshll.u32 s9, $0x16  }
0xc: {  	s9 =	sshll.u32 s9, $0xE;
	s11 =	sor.u32 s5, s7;
	s28 =	sshrl.u32 s10, $0x1  }
0xd: {  	s7 =	sshll.u32 s11, $0x13;
	s14 =	ssub.s32 s10, s28;
	s30 =	sshll.u32 s11, $0x12  }
0xe: {  	s11 =	sshll.u32 s11, $0x1;
	s29 =	sadd.s32 s12, s7;
	s7 =	sor.u32 s13, s7  }
0xf: {  	s10 =	sor.u32 s30, s12;
	s8 =	sadd.s32 s8, s11;
	s11 =	smax.u32 s14, $0x1  }
0x10: {  	s12 =	simm.s32 $0x10;
	s13 =	simm.s32 $0x80;
	s14 =	simm.s32 $0x2  }
0x11: {  	s5 =	sshrl.u32 s29, $0x3;
	s7 =	sshrl.u32 s7, $0x3;
	s10 =	sadd.s32 $0x400000, s10  }
0x12: {  	s5 =	sadd.s32 s3, s5;
	s6 =	sadd.s32 s6, s7;
	s7 =	sor.u32 $0x1C01, s31  }
.LBB2_1:
0x13: {  	[hbm:s5], [sflag:s7] =	dma.local [hbm:s6], $0x10000  }
0x14: {  	[tilespmem:s4], [sflag:$0x2] =	stream.strided.gather [hbm4b:s8+s12], $0x8000, s13, s12, $0x38;
	[tilespmem:$0x10800] =	vst v63  }
0x15: {  	_ =	swait.ge [sflag:s14], $0x8000  }
0x16: {  	[sflag:s14] =	ssyncset.done $0x0  }
0x17: {  	s20 =	simm.s32 $0x0;
	[sflag:s14] =	ssyncadd.s32 $0xFFFF8000  }
.LBB2_2:
0x18: {  	s21 =	sshll.u32 s20, $0xB  }
0x19: {  	s22 =	sadd.s32 s9, s21  }
0x1a: {  	s22 =	sshrl.u32 s22, $0x3  }
0x1b: {  	s23 =	simm.s32 $0x0;
	s24 =	simm.s32 $0x8000;
	s22 =	sadd.s32 s1, s22  }
0x1c: {  	[tilespmem:s24], [sflag:$0x2] =	stream.linear.gather [hbm4b:s22+s23], $0x800, $0x38;
	[tilespmem:$0x10800] =	vst v63  }
0x1d: {  	_ =	swait.ge [sflag:s14], $0x800  }
0x1e: {  	[sflag:s14] =	ssyncset.done $0x0  }
0x1f: {  	[sflag:s14] =	ssyncadd.s32 $0xFFFFF800  }
0x20: {  	v0 =	vld [tilespmem:s24+$0x0];
	_ =	sdelay $0x4  }
0x21: {  	v0 =	vshll.u32 v0, $0x4;
	_ =	sdelay $0x4  }
0x22: {  	v1 =	vld.idx.msk [tilespmem:v0+s4+$0x0], $0xffff  }
0x23: {  	v2 =	vor.u32 $0x1, v0;
	_ =	sdelay $0x2  }
0x24: {  	s22 =	simm.s32 $0x8800  }
0x25: {  	[tilespmem:s22+$0x0] =	vst v1  }
0x26: {  	v1 =	vld.idx.msk [tilespmem:v2+s4+$0x0], $0xffff  }
0x27: {  	v51 =	vor.u32 $0x2, v0;
	_ =	sdelay $0x2  }
0x28: {  	s23 =	sand.u32 $0x7F0, s23  }
0x29: {  	[tilespmem:s23+$0x9000] =	vst v1  }
0x2a: {  	v1 =	vld.idx.msk [tilespmem:v51+s4+$0x0], $0xffff  }
0x2b: {  	v52 =	vor.u32 $0x3, v0;
	_ =	sdelay $0x3  }
0x2c: {  	[tilespmem:s23+$0x9800] =	vst v1  }
0x2d: {  	v1 =	vld.idx.msk [tilespmem:v52+s4+$0x0], $0xffff  }
0x2e: {  	v53 =	vor.u32 $0x4, v0;
	_ =	sdelay $0x3  }
0x2f: {  	[tilespmem:s23+$0xA000] =	vst v1  }
0x30: {  	v1 =	vld.idx.msk [tilespmem:v53+s4+$0x0], $0xffff  }
0x31: {  	v54 =	vor.u32 $0x5, v0;
	_ =	sdelay $0x3  }
0x32: {  	[tilespmem:s23+$0xA800] =	vst v1  }
0x33: {  	v1 =	vld.idx.msk [tilespmem:v54+s4+$0x0], $0xffff  }
0x34: {  	v55 =	vor.u32 $0x6, v0;
	_ =	sdelay $0x3  }
0x35: {  	[tilespmem:s23+$0xB000] =	vst v1  }
0x36: {  	v1 =	vld.idx.msk [tilespmem:v55+s4+$0x0], $0xffff  }
0x37: {  	v56 =	vor.u32 $0x7, v0;
	_ =	sdelay $0x3  }
0x38: {  	[tilespmem:s23+$0xB800] =	vst v1  }
0x39: {  	v1 =	vld.idx.msk [tilespmem:v56+s4+$0x0], $0xffff  }
0x3a: {  	v57 =	vor.u32 $0x8, v0;
	_ =	sdelay $0x3  }
0x3b: {  	[tilespmem:s23+$0xC000] =	vst v1  }
0x3c: {  	v1 =	vld.idx.msk [tilespmem:v57+s4+$0x0], $0xffff  }
0x3d: {  	v58 =	vor.u32 $0x9, v0;
	_ =	sdelay $0x3  }
0x3e: {  	[tilespmem:s23+$0xC800] =	vst v1  }
0x3f: {  	v1 =	vld.idx.msk [tilespmem:v58+s4+$0x0], $0xffff  }
0x40: {  	v59 =	vor.u32 $0xA, v0;
	_ =	sdelay $0x3  }
0x41: {  	[tilespmem:s23+$0xD000] =	vst v1  }
0x42: {  	v1 =	vld.idx.msk [tilespmem:v59+s4+$0x0], $0xffff  }
0x43: {  	v60 =	vor.u32 $0xB, v0;
	_ =	sdelay $0x3  }
0x44: {  	[tilespmem:s23+$0xD800] =	vst v1  }
0x45: {  	v1 =	vld.idx.msk [tilespmem:v60+s4+$0x0], $0xffff  }
0x46: {  	v61 =	vor.u32 $0xC, v0;
	_ =	sdelay $0x3  }
0x47: {  	[tilespmem:s23+$0xE000] =	vst v1  }
0x48: {  	v1 =	vld.idx.msk [tilespmem:v61+s4+$0x0], $0xffff  }
0x49: {  	v62 =	vor.u32 $0xD, v0;
	_ =	sdelay $0x3  }
0x4a: {  	[tilespmem:s23+$0xE800] =	vst v1  }
0x4b: {  	v1 =	vld.idx.msk [tilespmem:v62+s4+$0x0], $0xffff  }
0x4c: {  	v63 =	vor.u32 $0xE, v0;
	_ =	sdelay $0x3  }
0x4d: {  	[tilespmem:s23+$0xF000] =	vst v1  }
0x4e: {  	v1 =	vld.idx.msk [tilespmem:v63+s4+$0x0], $0xffff  }
0x4f: {  	v0 =	vor.u32 $0xF, v0;
	_ =	sdelay $0x3  }
0x50: {  	[tilespmem:s23+$0xF800] =	vst v1  }
0x51: {  	v0 =	vld.idx.msk [tilespmem:v0+s4+$0x0], $0xffff;
	_ =	sdelay $0x4  }
0x52: {  	s24 =	simm.s32 $0x10;
	[tilespmem:s23+$0x10000] =	vst v0;
	s23 =	simm.s32 $0x8010  }
.LBB2_3:
0x53: {  	v0 =	vld [tilespmem:s23+$0x0];
	p0 =	sne.s32 s24, $0x7F0;
	_ =	sdelay $0x4  }
0x54: {  	v1 =	vshll.u32 v0, $0x4  }
0x55: {  	v0 =	vor.u32 $0xF, v1;
	_ =	sdelay $0x3  }
0x56: {  	v2 =	vld.idx.msk [tilespmem:v1+s4+$0x0], $0xffff;
	_ =	sdelay $0x1  }
0x57: {  	v3 =	vor.u32 $0x1, v1;
	_ =	sdelay $0x2  }
0x58: {  	s22 =	sadd.s32 $0x10, s22  }
0x59: {  	[tilespmem:s22+$0x0] =	vst v2  }
0x5a: {  	v2 =	vld.idx.msk [tilespmem:v3+s4+$0x0], $0xffff;
	_ =	sdelay $0x1  }
0x5b: {  	v3 =	vor.u32 $0x2, v1;
	_ =	sdelay $0x2  }
0x5c: {  	s25 =	sand.u32 $0x7F0, s24  }
0x5d: {  	[tilespmem:s25+$0x9000] =	vst v2  }
0x5e: {  	v2 =	vld.idx.msk [tilespmem:v3+s4+$0x0], $0xffff;
	_ =	sdelay $0x1  }
0x5f: {  	v3 =	vor.u32 $0x3, v1;
	_ =	sdelay $0x3  }
0x60: {  	[tilespmem:s25+$0x9800] =	vst v2  }
0x61: {  	v2 =	vld.idx.msk [tilespmem:v3+s4+$0x0], $0xffff;
	_ =	sdelay $0x1  }
0x62: {  	v3 =	vor.u32 $0x4, v1;
	_ =	sdelay $0x3  }
0x63: {  	[tilespmem:s25+$0xA000] =	vst v2  }
0x64: {  	v2 =	vld.idx.msk [tilespmem:v3+s4+$0x0], $0xffff;
	_ =	sdelay $0x1  }
0x65: {  	v3 =	vor.u32 $0x5, v1;
	_ =	sdelay $0x3  }
0x66: {  	[tilespmem:s25+$0xA800] =	vst v2  }
0x67: {  	v2 =	vld.idx.msk [tilespmem:v3+s4+$0x0], $0xffff;
	_ =	sdelay $0x1  }
0x68: {  	v3 =	vor.u32 $0x6, v1;
	_ =	sdelay $0x3  }
0x69: {  	[tilespmem:s25+$0xB000] =	vst v2  }
0x6a: {  	v2 =	vld.idx.msk [tilespmem:v3+s4+$0x0], $0xffff;
	_ =	sdelay $0x1  }
0x6b: {  	v3 =	vor.u32 $0x7, v1;
	_ =	sdelay $0x3  }
0x6c: {  	[tilespmem:s25+$0xB800] =	vst v2  }
0x6d: {  	v2 =	vld.idx.msk [tilespmem:v3+s4+$0x0], $0xffff;
	_ =	sdelay $0x1  }
0x6e: {  	v3 =	vor.u32 $0x8, v1;
	_ =	sdelay $0x3  }
0x6f: {  	[tilespmem:s25+$0xC000] =	vst v2  }
0x70: {  	v2 =	vld.idx.msk [tilespmem:v3+s4+$0x0], $0xffff;
	_ =	sdelay $0x1  }
0x71: {  	v3 =	vor.u32 $0x9, v1;
	_ =	sdelay $0x3  }
0x72: {  	[tilespmem:s25+$0xC800] =	vst v2  }
0x73: {  	v2 =	vld.idx.msk [tilespmem:v3+s4+$0x0], $0xffff;
	_ =	sdelay $0x1  }
0x74: {  	v3 =	vor.u32 $0xA, v1;
	_ =	sdelay $0x3  }
0x75: {  	[tilespmem:s25+$0xD000] =	vst v2  }
0x76: {  	v2 =	vld.idx.msk [tilespmem:v3+s4+$0x0], $0xffff;
	_ =	sdelay $0x1  }
0x77: {  	v3 =	vor.u32 $0xB, v1;
	_ =	sdelay $0x3  }
0x78: {  	[tilespmem:s25+$0xD800] =	vst v2  }
0x79: {  	v2 =	vld.idx.msk [tilespmem:v3+s4+$0x0], $0xffff;
	_ =	sdelay $0x1  }
0x7a: {  	v3 =	vor.u32 $0xC, v1;
	_ =	sdelay $0x3  }
0x7b: {  	[tilespmem:s25+$0xE000] =	vst v2  }
0x7c: {  	v2 =	vld.idx.msk [tilespmem:v3+s4+$0x0], $0xffff;
	_ =	sdelay $0x1  }
0x7d: {  	v3 =	vor.u32 $0xD, v1;
	_ =	sdelay $0x3  }
0x7e: {  	[tilespmem:s25+$0xE800] =	vst v2  }
0x7f: {  	v2 =	vld.idx.msk [tilespmem:v3+s4+$0x0], $0xffff;
	_ =	sdelay $0x1  }
0x80: {  	v1 =	vor.u32 $0xE, v1;
	_ =	sdelay $0x3  }
0x81: {  	[tilespmem:s25+$0xF000] =	vst v2  }
0x82: {  	v1 =	vld.idx.msk [tilespmem:v1+s4+$0x0], $0xffff;
	_ =	sdelay $0x5  }
0x83: {  	[tilespmem:s25+$0xF800] =	vst v1  }
0x84: {  	v0 =	vld.idx.msk [tilespmem:v0+s4+$0x0], $0xffff;
	_ =	sdelay $0x1  }
.Ltmp0:
0x85: {  	(pc) =	sbr.rel @p0 .LBB2_3-.Ltmp0, $2  }
0x86: {  	_ =	sdelay $0x2  }
0x87: {  	s23 =	sadd.s32 $0x10, s23;
	s24 =	sadd.s32 $0x10, s24;
	[tilespmem:s25+$0x10000] =	vst v0  }
0x88: {  	s21 =	sadd.s32 s21, s10;
	s20 =	sadd.s32 $0x1, s20  }
0x89: {  	s21 =	sshrl.u32 s21, $0x3;
	p0 =	sne.s32 s20, $0x8  }
.Ltmp1:
0x8a: {  	s21 =	sadd.s32 s3, s21;
	(pc) =	sbr.rel @p0 .LBB2_2-.Ltmp1, $4  }
0x8b: {  	[hbm4b:s21+s15] =	stream.strided.scatter [tilespmem:s17], [sflag:$0x2], $0x8000, s16, s15, $0x38;
	[tilespmem:$0x10800] =	vst v63  }
0x8c: {  	_ =	swait.ge [sflag:s14], $0x8000  }
0x8d: {  	[sflag:s14] =	ssyncset.done $0x0  }
0x8e: {  	[sflag:s14] =	ssyncadd.s32 $0xFFFF8000  }
0x8f: {  	s19 =	sadd.s32 $0x1, s19  }
0x90: {  	p0 =	sne.s32 s19, s11  }
.Ltmp2:
0x91: {  	_ = 	snop;
	(pc) =	sbr.rel @p0 .LBB2_1-.Ltmp2, $4  }
0x92: {  	_ = 	snop  }
0x93: {  	_ =	swait.ge [sflag:s18], $0x10000  }
0x94: {  	[sflag:s18] =	ssyncset.done $0x0  }
0x95: {  	[sflag:s18] =	ssyncadd.s32 $0xFFFF0000  }
0x96: {  	_ =	sfence.sel $0x180000  }
0x97: {  	[bflag:$0x0] =	sbarrier.arrive $0xFFFF  }
0x98: {  	p0 =	sne.s32 s2, $0x0;
	_ =	strace $0x90000047  }
0x99: {  	s0 =	sadd.s32 @!p0 $0x100000, s0;
	[bflag:$0x2] =	sbarrier.arrive $0xFFFF  }
0x9a: {  	[sflag:s0] =	ssyncadd.tile.s32 @!p0 $0x1;
	_ =	shalt  }
.Lfunc_end2:
_tile_overlayer_lowered:
.L_overlay_start_2:
0x9b: {  	(tag) =	ssettag $0x2  }
0x9c: {  	s0 =	rddreg [dreg:$0x0];
	s2 =	stileid.u32  }
0x9d: {  	s1 =	rddreg [dreg:$0x1];
	p0 =	sne.s32 s2, $0x0  }
0x9e: {  	s3 =	rddreg [dreg:$0x2];
	[bflag:$0x3] =	sbarrier.arrive $0xFFFF;
	s2 =	simm.s32 @!p0 $0x1C02  }
0x9f: {  	[timem:s3], [sflag:s2] =	dma.local @!p0 [hbm:s0], s1  }
0xa0: {  	s0 =	simm.s32 @!p0 $0x2  }
0xa1: {  	_ =	swait.ge @!p0 [sflag:s0], s1  }
0xa2: {  	s1 =	ssub.s32 @!p0 $0x0, s1;
	[sflag:s0] =	ssyncset.done @!p0 $0x0  }
0xa3: {  	[sflag:s0] =	ssyncadd.s32 @!p0 s1  }
0xa4: {  	[bflag:$0x3] =	sbarrier.arrive $0xFFFF  }
0xa5: {  	_ =	shalt  }

</sc_bundles>
